<compile_context>
chip_gen: v7x
topology: tpu7x:2x2x1
jax: 0.10.2.dev20260603
libtpu: 0.0.44.dev20260713+nightly
codegen_flags: <defaults>
</compile_context>

<pallas_src>
import functools

import jax
import jax.numpy as jnp
from jax import lax
from jax.experimental import pallas as pl
from jax.experimental.pallas import tpu as pltpu
from jax.experimental.pallas import tpu_sc as plsc

EMBED = 128
VOCAB = 14
SEQ = 64
FUSED_ROWS = SEQ * VOCAB
NC = 2
NS = 16
NW = NC * NS
GCHUNK = 128
GPER = 2
CHUNK = GCHUNK * GPER


def _prep_tc(flat, token_table, pos_table):
    b = flat.shape[0]

    def body(flat_ref, tok_ref, pos_ref, f_ref, idx_ref):
        f_ref[...] = pos_ref[...][:, None, :] + tok_ref[...][None, :, :]
        pos_ids = lax.broadcasted_iota(jnp.int32, (b, SEQ), 1)
        idx_ref[...] = flat_ref[...] + pos_ids * VOCAB

    return pl.pallas_call(
        body,
        out_shape=(
            jax.ShapeDtypeStruct((SEQ, VOCAB, EMBED), jnp.float32),
            jax.ShapeDtypeStruct((b, SEQ), jnp.int32),
        ),
    )(flat, token_table, pos_table)


def _gather_sc(fused, idx):
    n_rows = idx.shape[0]
    rows_per_w = n_rows // NW
    n_chunks = rows_per_w // CHUNK
    mesh = plsc.VectorSubcoreMesh(core_axis_name="c", subcore_axis_name="s")

    @functools.partial(
        pl.kernel,
        out_type=jax.ShapeDtypeStruct((n_rows, EMBED), jnp.float32),
        mesh=mesh,
        scratch_types=[
            pltpu.VMEM((rows_per_w,), jnp.int32),
            pltpu.VMEM((CHUNK, EMBED), jnp.float32),
            pltpu.VMEM((CHUNK, EMBED), jnp.float32),
            pltpu.VMEM_SHARED((FUSED_ROWS, EMBED), jnp.float32),
            pltpu.SemaphoreType.DMA,
            pltpu.SemaphoreType.DMA,
            pltpu.SemaphoreType.DMA,
            pltpu.SemaphoreType.DMA,
        ],
    )
    def k(fused_hbm, idx_hbm, out_hbm, idx_all, rows_v0, rows_v1, fused_sp,
          sem_g0, sem_g1, sem_s0, sem_s1):
        sid = lax.axis_index("s")
        wid = sid * NC + lax.axis_index("c")
        base0 = wid * rows_per_w

        @pl.when(sid == 0)
        def _():
            pltpu.sync_copy(fused_hbm, fused_sp)

        pltpu.sync_copy(idx_hbm.at[pl.ds(base0, rows_per_w)], idx_all)
        plsc.subcore_barrier()

        bufs = ((rows_v0, sem_g0, sem_s0), (rows_v1, sem_g1, sem_s1))

        def body(j, carry):
            for b, (rows_v, sem_g, sem_s) in enumerate(bufs):
                i = j * 2 + b
                base = base0 + i * CHUNK

                @pl.when(j > 0)
                def _():
                    pltpu.make_async_copy(
                        rows_v, out_hbm.at[pl.ds(base0, CHUNK)], sem_s).wait()

                handles = [
                    pltpu.async_copy(
                        fused_sp.at[idx_all.at[
                            pl.ds(i * CHUNK + g * GCHUNK, GCHUNK)]],
                        rows_v.at[pl.ds(g * GCHUNK, GCHUNK)], sem_g)
                    for g in range(GPER)
                ]
                for h in handles:
                    h.wait()
                pltpu.async_copy(rows_v, out_hbm.at[pl.ds(base, CHUNK)], sem_s)
            return carry

        lax.fori_loop(0, n_chunks // 2, body, 0)
        for rows_v, _, sem_s in bufs:
            pltpu.make_async_copy(
                rows_v, out_hbm.at[pl.ds(base0, CHUNK)], sem_s).wait()

    return k(fused, idx)


def kernel(inputs, token_table, pos_table):
    batch = inputs.shape[0]
    flat = inputs.reshape(batch, SEQ)
    fused3, idx = _prep_tc(flat, token_table, pos_table)
    out2 = _gather_sc(fused3.reshape(FUSED_ROWS, EMBED), idx.reshape(-1))
    return out2.reshape(batch, SEQ, EMBED)

# --- scband reference (transcript-rebuilt; emitter-appended) ---
"""Pipeline reference for scband-simple-board-embedding-38517266710668 (READ-ONLY COPY).

The authoritative reference and input builder live on the scoring server;
editing this copy changes nothing except your own understanding.
"""

import jax, jax.numpy as jnp
import numpy as np

EMBED_DIM = 128
VOCAB = 14
MAX_LEN = 64
BATCH = 16384


def get_pos_encoding_matrix(max_len, d_emb):
    pos_enc = np.array([[pos / np.power(10000, 2 * (j // 2) / d_emb) for j in range(d_emb)] if pos != 0 else np.zeros(d_emb) for pos in range(max_len)])
    pos_enc[1:, 0::2] = np.sin(pos_enc[1:, 0::2])
    pos_enc[1:, 1::2] = np.cos(pos_enc[1:, 1::2])
    return pos_enc.astype(np.float32)


def setup_inputs(seed: int = 0) -> dict:
    key = jax.random.key(seed)
    k1, k2 = jax.random.split(key)
    inputs = jax.random.randint(k1, (BATCH, 8, 8), 0, VOCAB, dtype=jnp.int32)
    # Keras Embedding default init: uniform(-0.05, 0.05)
    token_table = jax.random.uniform(k2, (VOCAB, EMBED_DIM), dtype=jnp.float32, minval=-0.05, maxval=0.05)
    pos_table = jnp.asarray(get_pos_encoding_matrix(MAX_LEN, EMBED_DIM))
    return {"inputs": inputs, "token_table": token_table, "pos_table": pos_table}


def reference(inputs, token_table, pos_table):
    # Flatten [B, 8, 8] -> [B, 64]
    flat = inputs.reshape((inputs.shape[0], -1))
    # Token embedding lookup (gather)
    board_embedding = jnp.take(token_table, flat, axis=0)  # [B, 64, D]
    # Masking layer is identity on values (only sets a Keras mask)
    # positional=True branch: add positional embeddings for positions 0..63
    positions = jnp.arange(0, MAX_LEN, 1)
    board_position_embeddings = jnp.take(pos_table, positions, axis=0)  # [64, D]
    board_embedding = board_embedding + board_position_embeddings[None, :, :]
    return board_embedding

if __name__ == "__main__":
    import jax
    _d = setup_inputs()
    print(jax.jit(kernel)(*tuple(_d.values())))

</pallas_src>

<mosaic_0001>
#map = affine_map<(d0, d1) -> (0, 0)>
#map1 = affine_map<(d0, d1) -> (0)>
module attributes {stable_mosaic.version = 14 : i64} {
  func.func @k(%arg0: i32, %arg1: i32, %arg2: memref<896x128xf32, #tpu.memory_space<hbm>>, %arg3: memref<1048576xi32, #tpu.memory_space<hbm>>, %arg4: memref<1048576x128xf32, #tpu.memory_space<hbm>>, %arg5: memref<32768xi32, #tpu.memory_space<vmem>>, %arg6: memref<256x128xf32, #tpu.memory_space<vmem>>, %arg7: memref<256x128xf32, #tpu.memory_space<vmem>>, %arg8: memref<896x128xf32, #tpu.memory_space<vmem_shared>>, %arg9: memref<!tpu.dma_semaphore, #tpu.memory_space<semaphore_mem>>, %arg10: memref<!tpu.dma_semaphore, #tpu.memory_space<semaphore_mem>>, %arg11: memref<!tpu.dma_semaphore, #tpu.memory_space<semaphore_mem>>, %arg12: memref<!tpu.dma_semaphore, #tpu.memory_space<semaphore_mem>>) attributes {dimension_semantics = [#tpu.dimension_semantics<core_parallel>, #tpu.dimension_semantics<subcore_parallel>], iteration_bounds = array<i64: 2, 16>, scalar_prefetch = 0 : i64, scratch_operands = 8 : i64, tpu.core_type = #tpu.core_type<sc_vector_subcore>, window_params = [{transform_indices = #map}, {transform_indices = #map1}, {transform_indices = #map}]} {
    %mul3A = arith.constant 2 : i32
    %mul3A_0 = arith.muli %arg1, %mul3A : i32
    %add3A = arith.addi %mul3A_0, %arg0 : i32
    %mul3A_1 = arith.constant 32768 : i32
    %mul3A_2 = arith.muli %add3A, %mul3A_1 : i32
    %eq3A = arith.constant 0 : i32
    %eq3A_3 = arith.cmpi eq, %arg1, %eq3A : i32
    %convert_element_type3A = arith.extui %eq3A_3 : i1 to i32
    %cond3A = arith.constant 0 : i32
    %cond3A_4 = arith.cmpi ne, %convert_element_type3A, %cond3A : i32
    scf.if %cond3A_4 {
      "tpu.region"() ({
        %run_scoped3A = tpu.sem_alloc : memref<!tpu.dma_semaphore, #tpu.memory_space<semaphore_mem>>
        tpu.enqueue_dma source(%arg2 : memref<896x128xf32, #tpu.memory_space<hbm>>) target(%arg8 : memref<896x128xf32, #tpu.memory_space<vmem_shared>>) target_semaphore(%run_scoped3A : memref<!tpu.dma_semaphore, #tpu.memory_space<semaphore_mem>>)
        tpu.wait_dma2 semaphore(%run_scoped3A : memref<!tpu.dma_semaphore, #tpu.memory_space<semaphore_mem>>) src(%arg2 : memref<896x128xf32, #tpu.memory_space<hbm>>) dst(%arg8 : memref<896x128xf32, #tpu.memory_space<vmem_shared>>)
        tpu.yield
      }) : () -> ()
    } else {
    }
    "tpu.region"() ({
      %run_scoped3A = tpu.sem_alloc : memref<!tpu.dma_semaphore, #tpu.memory_space<semaphore_mem>>
      %dma_start3A = tpu.memref_slice %arg3[%mul3A_2] : memref<1048576xi32, #tpu.memory_space<hbm>> -> memref<32768xi32, #tpu.memory_space<hbm>>
      %dma_start3A_17 = tpu.memref_slice %arg3[%mul3A_2] : memref<1048576xi32, #tpu.memory_space<hbm>> -> memref<32768xi32, #tpu.memory_space<hbm>>
      tpu.enqueue_dma source(%dma_start3A_17 : memref<32768xi32, #tpu.memory_space<hbm>>) target(%arg5 : memref<32768xi32, #tpu.memory_space<vmem>>) target_semaphore(%run_scoped3A : memref<!tpu.dma_semaphore, #tpu.memory_space<semaphore_mem>>)
      %dma_wait3A_18 = tpu.memref_slice %arg3[%mul3A_2] : memref<1048576xi32, #tpu.memory_space<hbm>> -> memref<32768xi32, #tpu.memory_space<hbm>>
      %dma_wait3A_19 = tpu.memref_slice %arg3[%mul3A_2] : memref<1048576xi32, #tpu.memory_space<hbm>> -> memref<32768xi32, #tpu.memory_space<hbm>>
      tpu.wait_dma2 semaphore(%run_scoped3A : memref<!tpu.dma_semaphore, #tpu.memory_space<semaphore_mem>>) src(%dma_wait3A_19 : memref<32768xi32, #tpu.memory_space<hbm>>) dst(%arg5 : memref<32768xi32, #tpu.memory_space<vmem>>)
      tpu.yield
    }) : () -> ()
    %barrier3A = arith.constant 0 : index
    tpu.barrier barrier_id(%barrier3A)
    %scan3A = arith.constant 0 : i32
    %scan3A_5 = arith.constant 0 : i32
    %scan3A_6 = arith.constant 64 : i32
    %scan3A_7 = arith.addi %scan3A_5, %scan3A_6 : i32
    %scan3A_8 = arith.constant 1 : i32
    scf.for %scan3A_17 = %scan3A_5 to %scan3A_7 step %scan3A_8  : i32 {
      %mul3A_18 = arith.constant 2 : i32
      %mul3A_19 = arith.muli %scan3A_17, %mul3A_18 : i32
      %add3A_20 = arith.constant 0 : i32
      %add3A_21 = arith.addi %mul3A_19, %add3A_20 : i32
      %mul3A_22 = arith.constant 256 : i32
      %mul3A_23 = arith.muli %add3A_21, %mul3A_22 : i32
      %add3A_24 = arith.addi %mul3A_2, %mul3A_23 : i32
      %gt3A = arith.constant 0 : i32
      %gt3A_25 = arith.cmpi sgt, %scan3A_17, %gt3A : i32
      %convert_element_type3A_26 = arith.extui %gt3A_25 : i1 to i32
      %cond3A_27 = arith.constant 0 : i32
      %cond3A_28 = arith.cmpi ne, %convert_element_type3A_26, %cond3A_27 : i32
      scf.if %cond3A_28 {
        %dma_wait3A_120 = arith.constant 0 : i32
        %dma_wait3A_121 = tpu.memref_slice %arg4[%mul3A_2, %dma_wait3A_120] : memref<1048576x128xf32, #tpu.memory_space<hbm>> -> memref<256x128xf32, #tpu.memory_space<hbm>>
        %dma_wait3A_122 = arith.constant 0 : i32
        %dma_wait3A_123 = tpu.memref_slice %arg4[%mul3A_2, %dma_wait3A_122] : memref<1048576x128xf32, #tpu.memory_space<hbm>> -> memref<256x128xf32, #tpu.memory_space<hbm>>
        tpu.wait_dma2 semaphore(%arg11 : memref<!tpu.dma_semaphore, #tpu.memory_space<semaphore_mem>>) src(%arg6 : memref<256x128xf32, #tpu.memory_space<vmem>>) dst(%dma_wait3A_123 : memref<256x128xf32, #tpu.memory_space<hbm>>)
      } else {
      }
      %mul3A_29 = arith.constant 256 : i32
      %mul3A_30 = arith.muli %add3A_21, %mul3A_29 : i32
      %add3A_31 = arith.constant 0 : i32
      %add3A_32 = arith.addi %mul3A_30, %add3A_31 : i32
      %dma_start3A = arith.constant 0 : i32
      %dma_start3A_33 = arith.constant 0 : i32
      %dma_start3A_34 = tpu.memref_slice %arg6[%dma_start3A, %dma_start3A_33] : memref<256x128xf32, #tpu.memory_space<vmem>> -> memref<128x128xf32, #tpu.memory_space<vmem>>
      %dma_start3A_35 = tpu.memref_slice %arg5[%add3A_32] : memref<32768xi32, #tpu.memory_space<vmem>> -> memref<128xi32, #tpu.memory_space<vmem>>
      %dma_start3A_36 = arith.constant 0 : i32
      %dma_start3A_37 = arith.constant 0 : i32
      %dma_start3A_38 = tpu.memref_slice %arg8[%dma_start3A_36, %dma_start3A_37] : memref<896x128xf32, #tpu.memory_space<vmem_shared>> -> memref<896x128xf32, #tpu.memory_space<vmem_shared>>
      tpu.enqueue_indirect_dma source(%dma_start3A_38 : memref<896x128xf32, #tpu.memory_space<vmem_shared>>) target(%dma_start3A_34 : memref<128x128xf32, #tpu.memory_space<vmem>>) offsets(%dma_start3A_35 : memref<128xi32, #tpu.memory_space<vmem>>) semaphore(%arg9 : memref<!tpu.dma_semaphore, #tpu.memory_space<semaphore_mem>>)
      %mul3A_39 = arith.constant 256 : i32
      %mul3A_40 = arith.muli %add3A_21, %mul3A_39 : i32
      %add3A_41 = arith.constant 128 : i32
      %add3A_42 = arith.addi %mul3A_40, %add3A_41 : i32
      %dma_start3A_43 = arith.constant 128 : i32
      %dma_start3A_44 = arith.constant 0 : i32
      %dma_start3A_45 = tpu.memref_slice %arg6[%dma_start3A_43, %dma_start3A_44] : memref<256x128xf32, #tpu.memory_space<vmem>> -> memref<128x128xf32, #tpu.memory_space<vmem>>
      %dma_start3A_46 = tpu.memref_slice %arg5[%add3A_42] : memref<32768xi32, #tpu.memory_space<vmem>> -> memref<128xi32, #tpu.memory_space<vmem>>
      %dma_start3A_47 = arith.constant 0 : i32
      %dma_start3A_48 = arith.constant 0 : i32
      %dma_start3A_49 = tpu.memref_slice %arg8[%dma_start3A_47, %dma_start3A_48] : memref<896x128xf32, #tpu.memory_space<vmem_shared>> -> memref<896x128xf32, #tpu.memory_space<vmem_shared>>
      tpu.enqueue_indirect_dma source(%dma_start3A_49 : memref<896x128xf32, #tpu.memory_space<vmem_shared>>) target(%dma_start3A_45 : memref<128x128xf32, #tpu.memory_space<vmem>>) offsets(%dma_start3A_46 : memref<128xi32, #tpu.memory_space<vmem>>) semaphore(%arg9 : memref<!tpu.dma_semaphore, #tpu.memory_space<semaphore_mem>>)
      %dma_wait3A_50 = arith.constant 0 : i32
      %dma_wait3A_51 = arith.constant 0 : i32
      %dma_wait3A_52 = tpu.memref_slice %arg6[%dma_wait3A_50, %dma_wait3A_51] : memref<256x128xf32, #tpu.memory_space<vmem>> -> memref<128x128xf32, #tpu.memory_space<vmem>>
      %dma_wait3A_53 = tpu.memref_slice %arg5[%add3A_32] : memref<32768xi32, #tpu.memory_space<vmem>> -> memref<128xi32, #tpu.memory_space<vmem>>
      %dma_wait3A_54 = arith.constant 0 : i32
      %dma_wait3A_55 = arith.constant 0 : i32
      %dma_wait3A_56 = tpu.memref_slice %arg8[%dma_wait3A_54, %dma_wait3A_55] : memref<896x128xf32, #tpu.memory_space<vmem_shared>> -> memref<896x128xf32, #tpu.memory_space<vmem_shared>>
      tpu.wait_indirect_dma semaphore(%arg9 : memref<!tpu.dma_semaphore, #tpu.memory_space<semaphore_mem>>) src(%dma_wait3A_56 : memref<896x128xf32, #tpu.memory_space<vmem_shared>>) dst(%dma_wait3A_52 : memref<128x128xf32, #tpu.memory_space<vmem>>)
      %dma_wait3A_57 = arith.constant 128 : i32
      %dma_wait3A_58 = arith.constant 0 : i32
      %dma_wait3A_59 = tpu.memref_slice %arg6[%dma_wait3A_57, %dma_wait3A_58] : memref<256x128xf32, #tpu.memory_space<vmem>> -> memref<128x128xf32, #tpu.memory_space<vmem>>
      %dma_wait3A_60 = tpu.memref_slice %arg5[%add3A_42] : memref<32768xi32, #tpu.memory_space<vmem>> -> memref<128xi32, #tpu.memory_space<vmem>>
      %dma_wait3A_61 = arith.constant 0 : i32
      %dma_wait3A_62 = arith.constant 0 : i32
      %dma_wait3A_63 = tpu.memref_slice %arg8[%dma_wait3A_61, %dma_wait3A_62] : memref<896x128xf32, #tpu.memory_space<vmem_shared>> -> memref<896x128xf32, #tpu.memory_space<vmem_shared>>
      tpu.wait_indirect_dma semaphore(%arg9 : memref<!tpu.dma_semaphore, #tpu.memory_space<semaphore_mem>>) src(%dma_wait3A_63 : memref<896x128xf32, #tpu.memory_space<vmem_shared>>) dst(%dma_wait3A_59 : memref<128x128xf32, #tpu.memory_space<vmem>>)
      %dma_start3A_64 = arith.constant 0 : i32
      %dma_start3A_65 = tpu.memref_slice %arg4[%add3A_24, %dma_start3A_64] : memref<1048576x128xf32, #tpu.memory_space<hbm>> -> memref<256x128xf32, #tpu.memory_space<hbm>>
      %dma_start3A_66 = arith.constant 0 : i32
      %dma_start3A_67 = tpu.memref_slice %arg4[%add3A_24, %dma_start3A_66] : memref<1048576x128xf32, #tpu.memory_space<hbm>> -> memref<256x128xf32, #tpu.memory_space<hbm>>
      tpu.enqueue_dma source(%arg6 : memref<256x128xf32, #tpu.memory_space<vmem>>) target(%dma_start3A_67 : memref<256x128xf32, #tpu.memory_space<hbm>>) target_semaphore(%arg11 : memref<!tpu.dma_semaphore, #tpu.memory_space<semaphore_mem>>)
      %mul3A_68 = arith.constant 2 : i32
      %mul3A_69 = arith.muli %scan3A_17, %mul3A_68 : i32
      %add3A_70 = arith.constant 1 : i32
      %add3A_71 = arith.addi %mul3A_69, %add3A_70 : i32
      %mul3A_72 = arith.constant 256 : i32
      %mul3A_73 = arith.muli %add3A_71, %mul3A_72 : i32
      %add3A_74 = arith.addi %mul3A_2, %mul3A_73 : i32
      %gt3A_75 = arith.constant 0 : i32
      %gt3A_76 = arith.cmpi sgt, %scan3A_17, %gt3A_75 : i32
      %convert_element_type3A_77 = arith.extui %gt3A_76 : i1 to i32
      %cond3A_78 = arith.constant 0 : i32
      %cond3A_79 = arith.cmpi ne, %convert_element_type3A_77, %cond3A_78 : i32
      scf.if %cond3A_79 {
        %dma_wait3A_120 = arith.constant 0 : i32
        %dma_wait3A_121 = tpu.memref_slice %arg4[%mul3A_2, %dma_wait3A_120] : memref<1048576x128xf32, #tpu.memory_space<hbm>> -> memref<256x128xf32, #tpu.memory_space<hbm>>
        %dma_wait3A_122 = arith.constant 0 : i32
        %dma_wait3A_123 = tpu.memref_slice %arg4[%mul3A_2, %dma_wait3A_122] : memref<1048576x128xf32, #tpu.memory_space<hbm>> -> memref<256x128xf32, #tpu.memory_space<hbm>>
        tpu.wait_dma2 semaphore(%arg12 : memref<!tpu.dma_semaphore, #tpu.memory_space<semaphore_mem>>) src(%arg7 : memref<256x128xf32, #tpu.memory_space<vmem>>) dst(%dma_wait3A_123 : memref<256x128xf32, #tpu.memory_space<hbm>>)
      } else {
      }
      %mul3A_80 = arith.constant 256 : i32
      %mul3A_81 = arith.muli %add3A_71, %mul3A_80 : i32
      %add3A_82 = arith.constant 0 : i32
      %add3A_83 = arith.addi %mul3A_81, %add3A_82 : i32
      %dma_start3A_84 = arith.constant 0 : i32
      %dma_start3A_85 = arith.constant 0 : i32
      %dma_start3A_86 = tpu.memref_slice %arg7[%dma_start3A_84, %dma_start3A_85] : memref<256x128xf32, #tpu.memory_space<vmem>> -> memref<128x128xf32, #tpu.memory_space<vmem>>
      %dma_start3A_87 = tpu.memref_slice %arg5[%add3A_83] : memref<32768xi32, #tpu.memory_space<vmem>> -> memref<128xi32, #tpu.memory_space<vmem>>
      %dma_start3A_88 = arith.constant 0 : i32
      %dma_start3A_89 = arith.constant 0 : i32
      %dma_start3A_90 = tpu.memref_slice %arg8[%dma_start3A_88, %dma_start3A_89] : memref<896x128xf32, #tpu.memory_space<vmem_shared>> -> memref<896x128xf32, #tpu.memory_space<vmem_shared>>
      tpu.enqueue_indirect_dma source(%dma_start3A_90 : memref<896x128xf32, #tpu.memory_space<vmem_shared>>) target(%dma_start3A_86 : memref<128x128xf32, #tpu.memory_space<vmem>>) offsets(%dma_start3A_87 : memref<128xi32, #tpu.memory_space<vmem>>) semaphore(%arg10 : memref<!tpu.dma_semaphore, #tpu.memory_space<semaphore_mem>>)
      %mul3A_91 = arith.constant 256 : i32
      %mul3A_92 = arith.muli %add3A_71, %mul3A_91 : i32
      %add3A_93 = arith.constant 128 : i32
      %add3A_94 = arith.addi %mul3A_92, %add3A_93 : i32
      %dma_start3A_95 = arith.constant 128 : i32
      %dma_start3A_96 = arith.constant 0 : i32
      %dma_start3A_97 = tpu.memref_slice %arg7[%dma_start3A_95, %dma_start3A_96] : memref<256x128xf32, #tpu.memory_space<vmem>> -> memref<128x128xf32, #tpu.memory_space<vmem>>
      %dma_start3A_98 = tpu.memref_slice %arg5[%add3A_94] : memref<32768xi32, #tpu.memory_space<vmem>> -> memref<128xi32, #tpu.memory_space<vmem>>
      %dma_start3A_99 = arith.constant 0 : i32
      %dma_start3A_100 = arith.constant 0 : i32
      %dma_start3A_101 = tpu.memref_slice %arg8[%dma_start3A_99, %dma_start3A_100] : memref<896x128xf32, #tpu.memory_space<vmem_shared>> -> memref<896x128xf32, #tpu.memory_space<vmem_shared>>
      tpu.enqueue_indirect_dma source(%dma_start3A_101 : memref<896x128xf32, #tpu.memory_space<vmem_shared>>) target(%dma_start3A_97 : memref<128x128xf32, #tpu.memory_space<vmem>>) offsets(%dma_start3A_98 : memref<128xi32, #tpu.memory_space<vmem>>) semaphore(%arg10 : memref<!tpu.dma_semaphore, #tpu.memory_space<semaphore_mem>>)
      %dma_wait3A_102 = arith.constant 0 : i32
      %dma_wait3A_103 = arith.constant 0 : i32
      %dma_wait3A_104 = tpu.memref_slice %arg7[%dma_wait3A_102, %dma_wait3A_103] : memref<256x128xf32, #tpu.memory_space<vmem>> -> memref<128x128xf32, #tpu.memory_space<vmem>>
      %dma_wait3A_105 = tpu.memref_slice %arg5[%add3A_83] : memref<32768xi32, #tpu.memory_space<vmem>> -> memref<128xi32, #tpu.memory_space<vmem>>
      %dma_wait3A_106 = arith.constant 0 : i32
      %dma_wait3A_107 = arith.constant 0 : i32
      %dma_wait3A_108 = tpu.memref_slice %arg8[%dma_wait3A_106, %dma_wait3A_107] : memref<896x128xf32, #tpu.memory_space<vmem_shared>> -> memref<896x128xf32, #tpu.memory_space<vmem_shared>>
      tpu.wait_indirect_dma semaphore(%arg10 : memref<!tpu.dma_semaphore, #tpu.memory_space<semaphore_mem>>) src(%dma_wait3A_108 : memref<896x128xf32, #tpu.memory_space<vmem_shared>>) dst(%dma_wait3A_104 : memref<128x128xf32, #tpu.memory_space<vmem>>)
      %dma_wait3A_109 = arith.constant 128 : i32
      %dma_wait3A_110 = arith.constant 0 : i32
      %dma_wait3A_111 = tpu.memref_slice %arg7[%dma_wait3A_109, %dma_wait3A_110] : memref<256x128xf32, #tpu.memory_space<vmem>> -> memref<128x128xf32, #tpu.memory_space<vmem>>
      %dma_wait3A_112 = tpu.memref_slice %arg5[%add3A_94] : memref<32768xi32, #tpu.memory_space<vmem>> -> memref<128xi32, #tpu.memory_space<vmem>>
      %dma_wait3A_113 = arith.constant 0 : i32
      %dma_wait3A_114 = arith.constant 0 : i32
      %dma_wait3A_115 = tpu.memref_slice %arg8[%dma_wait3A_113, %dma_wait3A_114] : memref<896x128xf32, #tpu.memory_space<vmem_shared>> -> memref<896x128xf32, #tpu.memory_space<vmem_shared>>
      tpu.wait_indirect_dma semaphore(%arg10 : memref<!tpu.dma_semaphore, #tpu.memory_space<semaphore_mem>>) src(%dma_wait3A_115 : memref<896x128xf32, #tpu.memory_space<vmem_shared>>) dst(%dma_wait3A_111 : memref<128x128xf32, #tpu.memory_space<vmem>>)
      %dma_start3A_116 = arith.constant 0 : i32
      %dma_start3A_117 = tpu.memref_slice %arg4[%add3A_74, %dma_start3A_116] : memref<1048576x128xf32, #tpu.memory_space<hbm>> -> memref<256x128xf32, #tpu.memory_space<hbm>>
      %dma_start3A_118 = arith.constant 0 : i32
      %dma_start3A_119 = tpu.memref_slice %arg4[%add3A_74, %dma_start3A_118] : memref<1048576x128xf32, #tpu.memory_space<hbm>> -> memref<256x128xf32, #tpu.memory_space<hbm>>
      tpu.enqueue_dma source(%arg7 : memref<256x128xf32, #tpu.memory_space<vmem>>) target(%dma_start3A_119 : memref<256x128xf32, #tpu.memory_space<hbm>>) target_semaphore(%arg12 : memref<!tpu.dma_semaphore, #tpu.memory_space<semaphore_mem>>)
    }
    %scan3A_9 = arith.constant 64 : i32
    %dma_wait3A = arith.constant 0 : i32
    %dma_wait3A_10 = tpu.memref_slice %arg4[%mul3A_2, %dma_wait3A] : memref<1048576x128xf32, #tpu.memory_space<hbm>> -> memref<256x128xf32, #tpu.memory_space<hbm>>
    %dma_wait3A_11 = arith.constant 0 : i32
    %dma_wait3A_12 = tpu.memref_slice %arg4[%mul3A_2, %dma_wait3A_11] : memref<1048576x128xf32, #tpu.memory_space<hbm>> -> memref<256x128xf32, #tpu.memory_space<hbm>>
    tpu.wait_dma2 semaphore(%arg11 : memref<!tpu.dma_semaphore, #tpu.memory_space<semaphore_mem>>) src(%arg6 : memref<256x128xf32, #tpu.memory_space<vmem>>) dst(%dma_wait3A_12 : memref<256x128xf32, #tpu.memory_space<hbm>>)
    %dma_wait3A_13 = arith.constant 0 : i32
    %dma_wait3A_14 = tpu.memref_slice %arg4[%mul3A_2, %dma_wait3A_13] : memref<1048576x128xf32, #tpu.memory_space<hbm>> -> memref<256x128xf32, #tpu.memory_space<hbm>>
    %dma_wait3A_15 = arith.constant 0 : i32
    %dma_wait3A_16 = tpu.memref_slice %arg4[%mul3A_2, %dma_wait3A_15] : memref<1048576x128xf32, #tpu.memory_space<hbm>> -> memref<256x128xf32, #tpu.memory_space<hbm>>
    tpu.wait_dma2 semaphore(%arg12 : memref<!tpu.dma_semaphore, #tpu.memory_space<semaphore_mem>>) src(%arg7 : memref<256x128xf32, #tpu.memory_space<vmem>>) dst(%dma_wait3A_16 : memref<256x128xf32, #tpu.memory_space<hbm>>)
    return
  }
}

module attributes {stable_mosaic.version = 14 : i64} {
  func.func @body(%arg0: memref<16384x64xi32, #tpu.memory_space<vmem>>, %arg1: memref<14x128xf32, #tpu.memory_space<vmem>>, %arg2: memref<64x128xf32, #tpu.memory_space<vmem>>, %arg3: memref<64x14x128xf32, #tpu.memory_space<vmem>>, %arg4: memref<16384x64xi32, #tpu.memory_space<vmem>>) attributes {dimension_semantics = [], scalar_prefetch = 0 : i64, scratch_operands = 0 : i64, tpu.core_type = #tpu.core_type<tc>} {
    %get3A = arith.constant 0 : index
    %get3A_0 = arith.constant 0 : index
    %get3A_1 = vector.load %arg2[%get3A, %get3A_0] : memref<64x128xf32, #tpu.memory_space<vmem>>, vector<64x128xf32>
    %broadcast_in_dim3A = vector.shape_cast %get3A_1 : vector<64x128xf32> to vector<64x1x128xf32>
    %get3A_2 = arith.constant 0 : index
    %get3A_3 = arith.constant 0 : index
    %get3A_4 = vector.load %arg1[%get3A_2, %get3A_3] : memref<14x128xf32, #tpu.memory_space<vmem>>, vector<14x128xf32>
    %broadcast_in_dim3A_5 = vector.shape_cast %get3A_4 : vector<14x128xf32> to vector<1x14x128xf32>
    %add3A = vector.broadcast %broadcast_in_dim3A : vector<64x1x128xf32> to vector<64x14x128xf32>
    %add3A_6 = vector.broadcast %broadcast_in_dim3A_5 : vector<1x14x128xf32> to vector<64x14x128xf32>
    %add3A_7 = arith.addf %add3A, %add3A_6 : vector<64x14x128xf32>
    %swap3A = arith.constant 0 : index
    %swap3A_8 = arith.constant 0 : index
    %swap3A_9 = arith.constant 0 : index
    %swap3A_10 = vector.load %arg3[%swap3A, %swap3A_8, %swap3A_9] : memref<64x14x128xf32, #tpu.memory_space<vmem>>, vector<64x14x128xf32>
    tpu.vector_store %arg3[%swap3A, %swap3A_8, %swap3A_9], %add3A_7 {strides = array<i32>} : memref<64x14x128xf32, #tpu.memory_space<vmem>>, vector<64x14x128xf32>,
    %iota3A = tpu.iota {dimensions = array<i32: 1>} : vector<16384x64xi32>
    %get3A_11 = arith.constant 0 : index
    %get3A_12 = arith.constant 0 : index
    %get3A_13 = vector.load %arg0[%get3A_11, %get3A_12] : memref<16384x64xi32, #tpu.memory_space<vmem>>, vector<16384x64xi32>
    %mul3A = arith.constant 14 : i32
    %mul3A_14 = vector.broadcast %mul3A : i32 to vector<16384x64xi32>
    %mul3A_15 = arith.muli %iota3A, %mul3A_14 : vector<16384x64xi32>
    %add3A_16 = arith.addi %get3A_13, %mul3A_15 : vector<16384x64xi32>
    %swap3A_17 = arith.constant 0 : index
    %swap3A_18 = arith.constant 0 : index
    %swap3A_19 = vector.load %arg4[%swap3A_17, %swap3A_18] : memref<16384x64xi32, #tpu.memory_space<vmem>>, vector<16384x64xi32>
    tpu.vector_store %arg4[%swap3A_17, %swap3A_18], %add3A_16 {strides = array<i32>} : memref<16384x64xi32, #tpu.memory_space<vmem>>, vector<16384x64xi32>,
    return
  }
}

</mosaic_0001>

<sc_bundles>
// kernel: kernel.4.cloned.1.call-start
scs
__scs_entry_jumppad:
0x0: {  	(pc) =	sbr.rel $0x88, $3  }
0x1: {  	(tag) =	ssettag $0x0;
	lr =	simm.s32 $0x1  }
0x2: {  	[smem:$0x3F9E] =	sst lr;
	_ =	strace $0xD0000000  }
0x3: {  	_ = 	snop  }
0x4: {  	_ = 	snop  }
0x5: {  	_ = 	snop  }
0x6: {  	_ = 	snop  }
0x7: {  	_ = 	snop  }
__scs_overlays_trampoline_lowered:
0x8: {  	[smem:$0x3FAD] =	sst s0  }
0x9: {  	[smem:$0x3FAE] =	sst s1  }
0xa: {  	[smem:$0x3FAF] =	sst s2  }
0xb: {  	[smem:$0x3FB0] =	sst s3  }
0xc: {  	[smem:$0x3FB1] =	sst s4  }
0xd: {  	[smem:$0x3FB2] =	sst s5  }
0xe: {  	[smem:$0x3FB3] =	sst s6  }
0xf: {  	[smem:$0x3FB4] =	sst s7  }
0x10: {  	[smem:$0x3FB5] =	sst s8  }
0x11: {  	[smem:$0x3FB6] =	sst s9;
	s0 =	simm.s32 @!p0 $0x0  }
0x12: {  	s1 =	sld [smem:$0x3F9C];
	s0 =	simm.s32 @p0 $0x1  }
0x13: {  	[smem:$0x3FB7] =	sst s0;
	s0 =	simm.s32 @!p1 $0x0  }
0x14: {  	s2 =	sld [smem:$0x3F9B];
	s0 =	simm.s32 @p1 $0x1  }
0x15: {  	[smem:$0x3FB8] =	sst s0;
	s0 =	simm.s32 @!p2 $0x0  }
0x16: {  	s3 =	sld [smem:$0x3FDB];
	s0 =	simm.s32 @p2 $0x1  }
0x17: {  	s4 =	simm.s32 $0x1BF5;
	[smem:$0x3FBA] =	sst s0  }
0x18: {  	s0 =	sld [smem:$0x3F9D];
	_ =	swait.ge [sflag:s4], $0x0  }
0x19: {  	s7 =	sld [smem:$0x3F9E]  }
0x1a: {  	s8 =	sadd.s32 $0xFFFFE003, lr  }
0x1b: {  	s9 =	sadd.s32 $0xFFFFFEF7, lr;
	s5 =	simm.s32 $0xFFFFFFFF;
	p2 =	slt.u32 s8, $0xFFFFF086  }
0x1c: {  	p1 =	slt.u32 s9, $0xF7A;
	s5 =	simm.s32 @!p2 $0x0  }
0x1d: {  	s5 =	simm.s32 @p1 $0x1;
	p0 =	seq.s32 s7, s2  }
0x1e: {  	s7 =	smul.u32 @!p0 $0xF7A, s2;
	p2 =	seq.s32 @!p0 s5, $0x0  }
0x1f: {  	s9 =	smul.u32 $0xF7A, s1;
	s8 =	simm.s32 @!p0 $0x1BF5;
	p2 =	por !p2, p0  }
0x20: {  	[sflag:s8] =	ssyncset.s32 @!p0 $0xFFFFF086;
	s6 =	sadd.s32 @!p0 s3, s7;
	s7 =	simm.s32 @!p0 $0x108  }
0x21: {  	s3 =	sadd.s32 s3, s9;
	s6 =	sadd.s32 @!p0 $0x88, s6;
	s7 =	simm.s32 @p2 $0x1082  }
0x22: {  	[simem:s7], [sflag:s8] =	dma.local @!p0 [hbm:s6], $0xF7A  }
0x23: {  	s9 =	sor.u32 $0xD0000000, s2;
	s6 =	simm.s32 $0x108;
	_ =	swait.ge @!p0 [sflag:s8], $0x0  }
0x24: {  	s3 =	sadd.s32 $0x88, s3;
	s6 =	simm.s32 @!p1 $0x1082;
	[sflag:s4] =	ssyncset.s32 $0xFFFFF086  }
0x25: {  	[simem:s6], [sflag:s4] =	dma.local [hbm:s3], $0xF7A  }
0x26: {  	[smem:$0x3F9E] =	sst s1;
	(tag) =	ssettag s2;
	_ =	strace s9  }
0x27: {  	s1 =	sld [smem:$0x3FAE]  }
0x28: {  	s2 =	sld [smem:$0x3FAF]  }
0x29: {  	s4 =	sld [smem:$0x3FB1]  }
0x2a: {  	p0 =	seq.s32 s5, $0x0;
	s5 =	sld [smem:$0x3FB2]  }
0x2b: {  	s6 =	sld [smem:$0x3FB3]  }
0x2c: {  	s7 =	sld [smem:$0x3FB4]  }
0x2d: {  	s3 =	simm.s32 $0x108;
	s8 =	sld [smem:$0x3FB5]  }
0x2e: {  	s3 =	simm.s32 @!p0 $0x1082;
	s9 =	sld [smem:$0x3FB6]  }
0x2f: {  	lr =	sadd.s32 s0, s3;
	s0 =	sld [smem:$0x3FAD]  }
0x30: {  	s3 =	sld [smem:$0x3FB0]  }
0x31: {  	[smem:$0x3FB9] =	sst s10  }
0x32: {  	s10 =	sld [smem:$0x3FB7];
	_ =	sdelay $0x3  }
0x33: {  	p0 =	seq.s32 s10, $0x1;
	s10 =	sld [smem:$0x3FB9];
	_ =	sdelay $0x3  }
0x34: {  	[smem:$0x3FB9] =	sst s10  }
0x35: {  	s10 =	sld [smem:$0x3FB8];
	_ =	sdelay $0x3  }
0x36: {  	p1 =	seq.s32 s10, $0x1;
	s10 =	sld [smem:$0x3FB9];
	_ =	sdelay $0x3  }
0x37: {  	[smem:$0x3FB9] =	sst s10  }
0x38: {  	s10 =	sld [smem:$0x3FBA]  }
0x39: {  	_ = 	snop;
	(pc) =	sbr.ind lr, $3  }
0x3a: {  	_ = 	snop  }
0x3b: {  	_ = 	snop  }
0x3c: {  	p2 =	seq.s32 s10, $0x1;
	s10 =	sld [smem:$0x3FB9]  }
0x3d: {  	_ =	shalt  }
0x3e: {  	_ =	shalt  }
0x3f: {  	_ =	shalt  }
0x40: {  	_ =	shalt  }
0x41: {  	_ =	shalt  }
0x42: {  	_ =	shalt  }
0x43: {  	_ =	shalt  }
0x44: {  	_ =	shalt  }
0x45: {  	_ =	shalt  }
0x46: {  	_ =	shalt  }
0x47: {  	_ =	shalt  }
0x48: {  	_ =	shalt  }
0x49: {  	_ =	shalt  }
0x4a: {  	_ =	shalt  }
0x4b: {  	_ =	shalt  }
0x4c: {  	_ =	shalt  }
0x4d: {  	_ =	shalt  }
0x4e: {  	_ =	shalt  }
0x4f: {  	_ =	shalt  }
0x50: {  	_ =	shalt  }
0x51: {  	_ =	shalt  }
0x52: {  	_ =	shalt  }
0x53: {  	_ =	shalt  }
0x54: {  	_ =	shalt  }
0x55: {  	_ =	shalt  }
0x56: {  	_ =	shalt  }
0x57: {  	_ =	shalt  }
0x58: {  	_ =	shalt  }
0x59: {  	_ =	shalt  }
0x5a: {  	_ =	shalt  }
0x5b: {  	_ =	shalt  }
0x5c: {  	_ =	shalt  }
0x5d: {  	_ =	shalt  }
0x5e: {  	_ =	shalt  }
0x5f: {  	_ =	shalt  }
0x60: {  	_ =	shalt  }
0x61: {  	_ =	shalt  }
0x62: {  	_ =	shalt  }
0x63: {  	_ =	shalt  }
0x64: {  	_ =	shalt  }
0x65: {  	_ =	shalt  }
0x66: {  	_ =	shalt  }
0x67: {  	_ =	shalt  }
0x68: {  	_ =	shalt  }
0x69: {  	_ =	shalt  }
0x6a: {  	_ =	shalt  }
0x6b: {  	_ =	shalt  }
0x6c: {  	_ =	shalt  }
0x6d: {  	_ =	shalt  }
0x6e: {  	_ =	shalt  }
0x6f: {  	_ =	shalt  }
0x70: {  	_ =	shalt  }
0x71: {  	_ =	shalt  }
0x72: {  	_ =	shalt  }
0x73: {  	_ =	shalt  }
0x74: {  	_ =	shalt  }
0x75: {  	_ =	shalt  }
0x76: {  	_ =	shalt  }
0x77: {  	_ =	shalt  }
0x78: {  	_ =	shalt  }
0x79: {  	_ =	shalt  }
0x7a: {  	_ =	shalt  }
0x7b: {  	_ =	shalt  }
0x7c: {  	_ =	shalt  }
0x7d: {  	_ =	shalt  }
0x7e: {  	_ =	shalt  }
0x7f: {  	_ =	shalt  }
0x80: {  	_ =	shalt  }
0x81: {  	_ =	shalt  }
0x82: {  	_ =	shalt  }
0x83: {  	_ =	shalt  }
0x84: {  	_ =	shalt  }
0x85: {  	_ =	shalt  }
0x86: {  	_ =	shalt  }
0x87: {  	_ =	shalt  }
.Lfunc_end0:
.L_simem_size_0:
called_computation_lowered:
.L_overlay_start_0:
0x88: {  	s2 =	sld [smem:$0x3FD9]  }
0x89: {  	s3 =	sld [smem:$0x3FFE];
	_ =	sdelay $0x1  }
0x8a: {  	s1 =	srdreg.scid  }
0x8b: {  	s0 =	sand.u32 $0x1, s1  }
0x8c: {  	s17 =	sshll.u32 s0, $0xA;
	s2 =	sadd.s32 s3, s2  }
0x8d: {  	s2 =	sadd.s32 s2, s17  }
0x8e: {  	[smem:$0x3FC5] =	sst s2  }
0x8f: {  	_ = 	snop  }
0x90: {  	s2 =	sld [smem:$0x3FD0];
	(tm) =	ssettm $0x1  }
0x91: {  	s18 =	sld [smem:$0x3FFB];
	_ =	sdelay $0x3  }
0x92: {  	_ =	strace s18  }
0x93: {  	s3 =	sld [smem:$0x3FFC];
	_ =	sdelay $0x3  }
0x94: {  	_ =	strace s3  }
0x95: {  	s3 =	sld [smem:$0x3FFD];
	_ =	sdelay $0x3  }
0x96: {  	_ =	strace s3  }
0x97: {  	_ =	strace $0x8FFFFFFF  }
0x98: {  	s19 =	sld [smem:$0x3FDB];
	_ =	sdelay $0x1  }
0x99: {  	s4 =	simm.s32 $_scs_section_size  }
0x9a: {  	s5 =	simm.s32 $_size__tile_overlayer_lowered;
	s6 =	simm.s32 $_tile_overlayer_lowered  }
0x9b: {  	s22 =	simm.s32 $0x1BFF;
	s21 =	sshll.u32 s6, $0x1;
	s3 =	sadd.s32 s4, s19  }
0x9c: {  	s7 =	simm.s32 $0x0;
	s20 =	sshll.u32 s5, $0x1;
	s5 =	sadd.s32 s21, s3  }
0x9d: {  	[timem:s7], [sflag:s22] =	dma.local [hbm:s5], s20  }
0x9e: {  	_ =	swait.ge [sflag:s22], s20  }
0x9f: {  	s4 =	ssub.s32 $0x0, s20;
	[sflag:s22] =	ssyncset.done $0x0  }
0xa0: {  	[sflag:s22] =	ssyncadd.s32 s4;
	_ =	sdelay $0x1  }
0xa1: {  	s23 =	simm.s32 $0x1B8B  }
0xa2: {  	_ =	swait.ge [sflag:s23], $0x1  }
0xa3: {  	[sflag:s23] =	ssyncset.done $0x0  }
0xa4: {  	s25 =	simm.s32 $0x1B8E;
	s24 =	sld [smem:$0x3FFE];
	[sflag:s23] =	ssyncadd.s32 $0xFFFFFFFF  }
0xa5: {  	s26 =	simm.s32 $execute0_lowered;
	[smem:$0x3FD2] =	sst s25  }
0xa6: {  	s5 =	sshll.u32 s26, $0x1;
	_ =	strace $0x80000046;
	[dreg:$0x1] =	wrdreg $0xFFFFFFFF  }
0xa7: {  	s28 =	simm.s32 $_size_execute0_lowered;
	s3 =	sadd.s32 s3, s5;
	[dreg:$0x0] =	wrdreg $0x0  }
0xa8: {  	s5 =	sshll.u32 s28, $0x1;
	[dreg:$0x2] =	wrdreg s3  }
0xa9: {  	[dreg:$0x3] =	wrdreg s5  }
0xaa: {  	[dreg:$0x4] =	wrdreg $0xC0  }
0xab: {  	_ =	task [dreg:s7], $0x5FFFF  }
0xac: {  	[dreg:$0x1] =	wrdreg $0xFFFFFFFF  }
0xad: {  	[dreg:$0x0] =	wrdreg $0x60  }
0xae: {  	[dreg:$0x2] =	wrdreg s24  }
0xaf: {  	[dreg:$0x3] =	wrdreg s2  }
0xb0: {  	[dreg:$0x4] =	wrdreg $0x180000  }
0xb1: {  	[dreg:$0x5] =	wrdreg $0x9  }
0xb2: {  	_ =	task.clear_ibuf [dreg:s7], $0x6FFFF;
	_ =	strace $0x90000046  }
0xb3: {  	s29 =	simm.s32 $0x9;
	_ =	strace $0x80000048  }
0xb4: {  	_ =	swait.ge [sflag:s29], $0x1  }
0xb5: {  	[sflag:s29] =	ssyncadd.s32 $0xFFFFFFFF  }
0xb6: {  	_ =	strace $0x90000048  }
0xb7: {  	_ =	sfence  }
0xb8: {  	s30 =	sld [smem:$0x0];
	_ =	sdelay $0x2  }
0xb9: {  	s31 =	sshll.u32 s1, $0xD;
	s1 =	sshrl.u32 s1, $0x2  }
0xba: {  	s3 =	sand.u32 $0x4000, s31;
	s1 =	sadd.s32 s1, s30  }
0xbb: {  	s0 =	sor.u32 s3, s0;
	s1 =	sshll.u32 s1, $0x11  }
0xbc: {  	s0 =	sor.u32 s1, s0  }
0xbd: {  	s0 =	sadd.s32 $0x8F2B, s0  }
0xbe: {  	[sflag:s0] =	ssyncadd.remote.s32 $0x1  }
0xbf: {  	_ =	sfence.sel $0xFFFF  }
0xc0: {  	[dreg:$0x0] =	wrdreg $0xFFFFFFFF;
	(pc) =	sbr.abs _section_cstart, $3  }
0xc1: {  	[dreg:$0x1] =	wrdreg $0xFFFFFFFF  }
0xc2: {  	_ =	task.clear_ibuf [dreg:s7], $0x2FFFF;
	_ =	strace $0x9FFFFFFF  }
0xc3: {  	(tm) =	ssettm $0x7FFFFFFF  }
tec
execute0_lowered:
.L_overlay_start_1:
0x0: {  	(tag) =	ssettag $0x1  }
0x1: {  	s3 =	rddreg [dreg:$0x0]  }
0x2: {  	s0 =	srdreg.scid;
	s7 =	rddreg [dreg:$0x1]  }
0x3: {  	s8 =	stileid.u32;
	s1 =	rddreg [dreg:$0x2]  }
0x4: {  	s2 =	simm.s32 $0x0;
	s11 =	simm.s32 $0x80;
	s12 =	simm.s32 $0x8000  }
0x5: {  	s13 =	simm.s32 $0xC000;
	s14 =	simm.s32 $0x1;
	s15 =	simm.s32 $0x100  }
0x6: {  	s16 =	simm.s32 $0x10000;
	s17 =	simm.s32 $0x180;
	s18 =	simm.s32 $0x14000  }
0x7: {  	s19 =	simm.s32 $0x2;
	s20 =	simm.s32 $0x3;
	s21 =	simm.s32 $0x4  }
0x8: {  	s22 =	simm.s32 $0x0;
	s9 =	sand.u32 $0x1, s0;
	s0 =	rddreg [dreg:$0x3]  }
0x9: {  	s4 =	sshll.u32 s8, $0x10;
	[smem:$0x7FF] =	sst s2;
	s31 =	sshll.u32 s8, $0x14  }
0xa: {  	p0 =	sne.s32 s8, $0x0;
	s5 =	sshll.u32 s9, $0xF;
	s30 =	ssub.s32 $0x2, s9  }
0xb: {  	_ =	strace $0x80000047;
	s6 =	sor.u32 s5, s4;
	s10 =	sshrl.u32 s30, $0x1  }
0xc: {  	s9 =	sshll.u32 s9, $0x13;
	s4 =	sshrl.u32 s6, $0x3;
	s5 =	ssub.s32 s30, s10  }
0xd: {  	s6 =	sshll.u32 s6, $0x4;
	s10 =	sadd.s32 s31, s7;
	s4 =	sadd.s32 s4, s3  }
0xe: {  	s3 =	sadd.s32 $0xA00, s3;
	s5 =	smax.u32 s5, $0x1;
	s6 =	sadd.s32 s7, s6  }
0xf: {  	s9 =	sadd.s32 s9, s10;
	s10 =	simm.s32 $0x5;
	s4 =	sadd.s32 $0x4200, s4  }
0x10: {  	s7 =	sadd.s32 $0x1000, s6;
	s8 =	sadd.s32 $0x2000, s9;
	s9 =	sshrl.u32 @!p0 s1, $0x3  }
.LBB2_1:
0x11: {  	s23 =	simm.s32 @!p0 $0x1C05  }
0x12: {  	[spmem:s9], [sflag:s23] =	dma.local @!p0 [hbm:s3], $0x3800  }
0x13: {  	s23 =	simm.s32 @!p0 $0x5  }
0x14: {  	_ =	swait.ge @!p0 [sflag:s23], $0x3800  }
0x15: {  	[sflag:s23] =	ssyncset.done @!p0 $0x0  }
0x16: {  	[sflag:s23] =	ssyncadd.s32 @!p0 $0xFFFFC800  }
0x17: {  	[tilespmem:s2], [sflag:$0x5] =	stream.linear.gather [hbm4b:s4+s2], $0x8000, $0x38;
	[tilespmem:$0x19C00] =	vst v63  }
0x18: {  	_ =	swait.ge [sflag:s10], $0x8000  }
0x19: {  	[sflag:s10] =	ssyncset.done $0x0  }
0x1a: {  	[sflag:s10] =	ssyncadd.s32 $0xFFFF8000  }
0x1b: {  	[bflag:$0x0] =	sbarrier.arrive $0xFFFF  }
0x1c: {  	[tilespmem:s12], [sflag:$0x1] =	stream.indirect.gather [spmem:s1], $0x80, s2, s11, $0xb8;
	[tilespmem:$0x19C00] =	vst v63  }
0x1d: {  	_ = 	snop  }
0x1e: {  	[tilespmem:s13], [sflag:$0x1] =	stream.indirect.gather [spmem:s1], $0x80, s11, s11, $0xb8;
	[tilespmem:$0x19C00] =	vst v63  }
0x1f: {  	_ =	swait.ge [sflag:s14], $0x4000  }
0x20: {  	[sflag:s14] =	ssyncset.done $0x0  }
0x21: {  	[sflag:s14] =	ssyncadd.s32 $0xFFFFC000  }
0x22: {  	_ =	swait.ge [sflag:s14], $0x4000  }
0x23: {  	[sflag:s14] =	ssyncset.done $0x0  }
0x24: {  	[sflag:s14] =	ssyncadd.s32 $0xFFFFC000  }
0x25: {  	[hbm4b:s6+s2] =	stream.linear.scatter [tilespmem:s12], [sflag:$0x3], $0x8000, $0x38;
	[tilespmem:$0x19C00] =	vst v63  }
0x26: {  	_ = 	snop  }
0x27: {  	[tilespmem:s16], [sflag:$0x2] =	stream.indirect.gather [spmem:s1], $0x80, s15, s11, $0xb8;
	[tilespmem:$0x19C00] =	vst v63  }
0x28: {  	_ = 	snop  }
0x29: {  	[tilespmem:s18], [sflag:$0x2] =	stream.indirect.gather [spmem:s1], $0x80, s17, s11, $0xb8;
	[tilespmem:$0x19C00] =	vst v63  }
0x2a: {  	_ =	swait.ge [sflag:s19], $0x4000  }
0x2b: {  	[sflag:s19] =	ssyncset.done $0x0  }
0x2c: {  	[sflag:s19] =	ssyncadd.s32 $0xFFFFC000  }
0x2d: {  	_ =	swait.ge [sflag:s19], $0x4000  }
0x2e: {  	[sflag:s19] =	ssyncset.done $0x0  }
0x2f: {  	[sflag:s19] =	ssyncadd.s32 $0xFFFFC000  }
0x30: {  	[hbm4b:s7+s2] =	stream.linear.scatter [tilespmem:s16], [sflag:$0x4], $0x8000, $0x38;
	[tilespmem:$0x19C00] =	vst v63  }
0x31: {  	_ =	swait.ge [sflag:s20], $0x8000  }
0x32: {  	[sflag:s20] =	ssyncset.done $0x0  }
0x33: {  	s28 =	simm.s32 $0x200;
	[sflag:s20] =	ssyncadd.s32 $0xFFFF8000  }
0x34: {  	[tilespmem:s12], [sflag:$0x1] =	stream.indirect.gather [spmem:s1], $0x80, s28, s11, $0xb8;
	[tilespmem:$0x19C00] =	vst v63  }
0x35: {  	s29 =	simm.s32 $0x280  }
0x36: {  	[tilespmem:s13], [sflag:$0x1] =	stream.indirect.gather [spmem:s1], $0x80, s29, s11, $0xb8;
	[tilespmem:$0x19C00] =	vst v63  }
0x37: {  	_ =	swait.ge [sflag:s14], $0x4000  }
0x38: {  	[sflag:s14] =	ssyncset.done $0x0  }
0x39: {  	[sflag:s14] =	ssyncadd.s32 $0xFFFFC000  }
0x3a: {  	_ =	swait.ge [sflag:s14], $0x4000  }
0x3b: {  	[sflag:s14] =	ssyncset.done $0x0  }
0x3c: {  	[sflag:s14] =	ssyncadd.s32 $0xFFFFC000  }
0x3d: {  	[hbm4b:s8+s2] =	stream.linear.scatter [tilespmem:s12], [sflag:$0x3], $0x8000, $0x38;
	[tilespmem:$0x19C00] =	vst v63  }
0x3e: {  	_ =	swait.ge [sflag:s21], $0x8000  }
0x3f: {  	[sflag:s21] =	ssyncset.done $0x0  }
0x40: {  	s30 =	simm.s32 $0x300;
	[sflag:s21] =	ssyncadd.s32 $0xFFFF8000  }
0x41: {  	[tilespmem:s16], [sflag:$0x2] =	stream.indirect.gather [spmem:s1], $0x80, s30, s11, $0xb8;
	[tilespmem:$0x19C00] =	vst v63  }
0x42: {  	s31 =	simm.s32 $0x380  }
0x43: {  	[tilespmem:s18], [sflag:$0x2] =	stream.indirect.gather [spmem:s1], $0x80, s31, s11, $0xb8;
	[tilespmem:$0x19C00] =	vst v63  }
0x44: {  	_ =	swait.ge [sflag:s19], $0x4000  }
0x45: {  	[sflag:s19] =	ssyncset.done $0x0  }
0x46: {  	[sflag:s19] =	ssyncadd.s32 $0xFFFFC000  }
0x47: {  	_ =	swait.ge [sflag:s19], $0x4000  }
0x48: {  	s25 =	sadd.s32 $0x1000, s8;
	[sflag:s19] =	ssyncset.done $0x0  }
0x49: {  	s24 =	sadd.s32 $0x2000, s8;
	s23 =	simm.s32 $0x800;
	[sflag:s19] =	ssyncadd.s32 $0xFFFFC000  }
.LBB2_2:
0x4a: {  	[hbm4b:s25+s2] =	stream.linear.scatter [tilespmem:s16], [sflag:$0x4], $0x8000, $0x38;
	[tilespmem:$0x19C00] =	vst v63  }
0x4b: {  	s25 =	smov.u32 s23  }
0x4c: {  	p1 =	sne.s32 s23, $0x1F000;
	s23 =	sadd.s32 $0x800, s23;
	_ =	swait.ge [sflag:s20], $0x8000  }
0x4d: {  	s25 =	sshra.s32 s25, $0x2;
	[sflag:s20] =	ssyncset.done $0x0  }
0x4e: {  	s26 =	sadd.s32 $0x200, s25;
	[sflag:s20] =	ssyncadd.s32 $0xFFFF8000  }
0x4f: {  	[tilespmem:s12], [sflag:$0x1] =	stream.indirect.gather [spmem:s1], $0x80, s26, s11, $0xb8;
	[tilespmem:$0x19C00] =	vst v63  }
0x50: {  	s26 =	sadd.s32 $0x280, s25  }
0x51: {  	[tilespmem:s13], [sflag:$0x1] =	stream.indirect.gather [spmem:s1], $0x80, s26, s11, $0xb8;
	[tilespmem:$0x19C00] =	vst v63  }
0x52: {  	_ =	swait.ge [sflag:s14], $0x4000  }
0x53: {  	[sflag:s14] =	ssyncset.done $0x0  }
0x54: {  	[sflag:s14] =	ssyncadd.s32 $0xFFFFC000  }
0x55: {  	_ =	swait.ge [sflag:s14], $0x4000  }
0x56: {  	[sflag:s14] =	ssyncset.done $0x0  }
0x57: {  	[sflag:s14] =	ssyncadd.s32 $0xFFFFC000  }
0x58: {  	[hbm4b:s24+s2] =	stream.linear.scatter [tilespmem:s12], [sflag:$0x3], $0x8000, $0x38;
	[tilespmem:$0x19C00] =	vst v63  }
0x59: {  	_ =	swait.ge [sflag:s21], $0x8000  }
0x5a: {  	[sflag:s21] =	ssyncset.done $0x0  }
0x5b: {  	s26 =	sadd.s32 $0x300, s25;
	[sflag:s21] =	ssyncadd.s32 $0xFFFF8000  }
0x5c: {  	[tilespmem:s16], [sflag:$0x2] =	stream.indirect.gather [spmem:s1], $0x80, s26, s11, $0xb8;
	[tilespmem:$0x19C00] =	vst v63  }
0x5d: {  	s25 =	sadd.s32 $0x380, s25  }
0x5e: {  	[tilespmem:s18], [sflag:$0x2] =	stream.indirect.gather [spmem:s1], $0x80, s25, s11, $0xb8;
	[tilespmem:$0x19C00] =	vst v63  }
0x5f: {  	_ =	swait.ge [sflag:s19], $0x4000  }
.Ltmp0:
0x60: {  	[sflag:s19] =	ssyncset.done $0x0;
	(pc) =	sbr.rel @p1 .LBB2_2-.Ltmp0, $4  }
0x61: {  	[sflag:s19] =	ssyncadd.s32 $0xFFFFC000  }
0x62: {  	_ =	swait.ge [sflag:s19], $0x4000  }
0x63: {  	[sflag:s19] =	ssyncset.done $0x0  }
0x64: {  	s25 =	sadd.s32 $0x1000, s24;
	s24 =	sadd.s32 $0x2000, s24;
	[sflag:s19] =	ssyncadd.s32 $0xFFFFC000  }
0x65: {  	[hbm4b:s25+s2] =	stream.linear.scatter [tilespmem:s16], [sflag:$0x4], $0x8000, $0x38;
	[tilespmem:$0x19C00] =	vst v63  }
0x66: {  	s22 =	sadd.s32 $0x1, s22  }
0x67: {  	_ =	swait.ge [sflag:s20], $0x8000;
	p1 =	sne.s32 s22, s5  }
.Ltmp1:
0x68: {  	[sflag:s20] =	ssyncset.done $0x0;
	(pc) =	sbr.rel @p1 .LBB2_1-.Ltmp1, $4  }
0x69: {  	[sflag:s20] =	ssyncadd.s32 $0xFFFF8000  }
0x6a: {  	_ =	swait.ge [sflag:s21], $0x8000  }
0x6b: {  	[sflag:s21] =	ssyncset.done $0x0  }
0x6c: {  	[sflag:s21] =	ssyncadd.s32 $0xFFFF8000  }
0x6d: {  	_ =	sfence.sel $0x180000  }
0x6e: {  	[bflag:$0x0] =	sbarrier.arrive $0xFFFF  }
0x6f: {  	_ =	strace $0x90000047  }
0x70: {  	s0 =	sadd.s32 @!p0 $0x100000, s0;
	[bflag:$0x2] =	sbarrier.arrive $0xFFFF  }
0x71: {  	[sflag:s0] =	ssyncadd.tile.s32 @!p0 $0x1;
	_ =	shalt  }
.Lfunc_end2:
_tile_overlayer_lowered:
.L_overlay_start_2:
0x72: {  	(tag) =	ssettag $0x2  }
0x73: {  	s0 =	rddreg [dreg:$0x0];
	s2 =	stileid.u32  }
0x74: {  	s1 =	rddreg [dreg:$0x1];
	p0 =	sne.s32 s2, $0x0  }
0x75: {  	s3 =	rddreg [dreg:$0x2];
	[bflag:$0x3] =	sbarrier.arrive $0xFFFF;
	s2 =	simm.s32 @!p0 $0x1C05  }
0x76: {  	[timem:s3], [sflag:s2] =	dma.local @!p0 [hbm:s0], s1  }
0x77: {  	s0 =	simm.s32 @!p0 $0x5  }
0x78: {  	_ =	swait.ge @!p0 [sflag:s0], s1  }
0x79: {  	s1 =	ssub.s32 @!p0 $0x0, s1;
	[sflag:s0] =	ssyncset.done @!p0 $0x0  }
0x7a: {  	[sflag:s0] =	ssyncadd.s32 @!p0 s1  }
0x7b: {  	[bflag:$0x3] =	sbarrier.arrive $0xFFFF  }
0x7c: {  	_ =	shalt  }

</sc_bundles>
